<compile_context>
chip_gen: v7x
topology: tpu7x:2x2x1
jax: 0.10.2.dev20260603
libtpu: 0.0.44.dev20260713+nightly
codegen_flags: <defaults>
</compile_context>

<pallas_src>
import functools

import jax
import jax.numpy as jnp
from jax import lax
from jax.experimental import pallas as pl
from jax.experimental.pallas import tpu as pltpu
from jax.experimental.pallas import tpu_sc as plsc

P1_FEATURE_CUTOFF = 24576
FT_DIM = 128
BLK = 4096

_DNT = (((1,), (1,)), ((), ()))


def _make_sc_gather(V, D, B):
    info = plsc.get_sparse_core_info()
    NC, NS = info.num_cores, info.num_subcores
    NW = NC * NS
    assert B % (8 * NW) == 0 and D % info.num_lanes == 0
    b_per_w = B // NW
    mesh = plsc.VectorSubcoreMesh(core_axis_name="c", subcore_axis_name="s")

    half = b_per_w // 2

    @functools.partial(
        pl.kernel,
        mesh=mesh,
        out_type=jax.ShapeDtypeStruct((B, D), jnp.float32),
        scratch_types=[
            pltpu.VMEM((b_per_w,), jnp.int32),
            pltpu.VMEM((half, D), jnp.float32),
            pltpu.VMEM((half, D), jnp.float32),
            pltpu.SemaphoreType.DMA,
            pltpu.SemaphoreType.DMA,
            pltpu.SemaphoreType.DMA,
        ],
    )
    def sc_gather(table_hbm, idx_hbm, out_hbm, idx_v, rows0_v, rows1_v,
                  s0, s1, sw):
        wid = lax.axis_index("s") * NC + lax.axis_index("c")
        base = wid * b_per_w
        pltpu.sync_copy(idx_hbm.at[pl.ds(base, b_per_w)], idx_v)
        c0 = pltpu.async_copy(table_hbm.at[idx_v.at[pl.ds(0, half)]],
                              rows0_v, s0)
        c1 = pltpu.async_copy(table_hbm.at[idx_v.at[pl.ds(half, half)]],
                              rows1_v, s1)
        c0.wait()
        w0 = pltpu.async_copy(rows0_v, out_hbm.at[pl.ds(base, half)], sw)
        c1.wait()
        w1 = pltpu.async_copy(rows1_v, out_hbm.at[pl.ds(base + half, half)],
                              sw)
        w0.wait()
        w1.wait()

    return sc_gather


def _mlp_body(g_ref, f_ref, d_ref, w0_ref, bft_ref, w1_ref, b1_ref,
              w2_ref, b2_ref, w3_ref, b3_ref, out_ref):
    bf = jnp.bfloat16
    f32 = jnp.float32
    w0 = w0_ref[...]
    c = 2.0 * w0 + bft_ref[...]
    r0 = jnp.maximum(w0 + c, 0.0).astype(bf)
    hg = jnp.maximum(g_ref[...] + c, 0.0).astype(bf)
    is_p1 = f_ref[...] != 0
    h_stm = jnp.where(is_p1, hg, r0)
    h_nstm = jnp.where(is_p1, r0, hg)
    xcat = jnp.concatenate([h_stm, h_nstm, d_ref[...]], axis=1)
    x1 = lax.dot_general(xcat, w1_ref[...], _DNT, preferred_element_type=f32)
    h1 = jnp.maximum(x1 + b1_ref[...], 0.0)
    h2 = jnp.maximum(
        lax.dot_general(h1.astype(bf), w2_ref[...], _DNT,
                        preferred_element_type=f32) + b2_ref[...], 0.0)
    x3t = lax.dot_general(w3_ref[...], h2.astype(bf), _DNT,
                          preferred_element_type=f32)
    out_ref[...] = jnp.tanh(x3t + b3_ref[...])


def _mlp_call(g, f2d, dense, w0, bft, w1, b1, w2, b2, w3, b3):
    B = g.shape[0]
    H = w1.shape[0]
    TI = w1.shape[1]
    H2 = w2.shape[0]
    DD = dense.shape[1]
    grid = (B // BLK,)
    rep = lambda i: (0, 0)
    return pl.pallas_call(
        _mlp_body,
        grid=grid,
        in_specs=[
            pl.BlockSpec((BLK, FT_DIM), lambda i: (i, 0)),
            pl.BlockSpec((BLK, 1), lambda i: (i, 0)),
            pl.BlockSpec((BLK, DD), lambda i: (i, 0)),
            pl.BlockSpec((1, FT_DIM), rep),
            pl.BlockSpec((1, FT_DIM), rep),
            pl.BlockSpec((H, TI), rep),
            pl.BlockSpec((1, H), rep),
            pl.BlockSpec((H2, H), rep),
            pl.BlockSpec((1, H2), rep),
            pl.BlockSpec((1, H2), rep),
            pl.BlockSpec((1, 1), rep),
        ],
        out_specs=pl.BlockSpec((1, BLK), lambda i: (0, i)),
        out_shape=jax.ShapeDtypeStruct((1, B), jnp.float32),
    )(g, f2d, dense, w0, bft, w1, b1, w2, b2, w3, b3)


def kernel(sparse_batch, dense_batch, W_ft, b_ft, W1, b1, W2, b2, W3, b3):
    B = sparse_batch.shape[0]
    si = sparse_batch.astype(jnp.int32)
    f = si[:, 0]
    m8 = (f < P1_FEATURE_CUTOFF).astype(jnp.int8)[:, None]

    bf = jnp.bfloat16
    dense_bf = dense_batch.astype(bf)
    w1bf = W1.astype(bf)
    w2bf = W2.astype(bf)
    w3bf = W3.astype(bf)
    w0 = W_ft[0:1, :]
    bft = b_ft[None, :]
    b1r = b1[None, :]
    b2r = b2[None, :]
    b3r = b3.reshape(1, 1)

    sc_gather = _make_sc_gather(W_ft.shape[0], FT_DIM, B)
    g = sc_gather(W_ft, f)
    out = _mlp_call(
        g, m8, dense_bf, w0, bft, w1bf, b1r, w2bf, b2r, w3bf, b3r,
    )
    return out[0]

# --- scband reference (transcript-rebuilt; emitter-appended) ---
"""Pipeline reference for scband-nnue-46016279609809 (READ-ONLY COPY).

The authoritative reference and input builder live on the scoring server;
editing this copy changes nothing except your own understanding.
"""

import jax, jax.numpy as jnp
import numpy as np

PIECE_HEX_DIM = 49152
P1_FEATURE_CUTOFF = 24576
FT_DIM = 128
HIDDEN_DIM = 512
DENSE_DIM = 32
B = 16384

def setup_inputs(seed: int = 0) -> dict:
    key = jax.random.key(seed)
    ks = jax.random.split(key, 10)
    sparse_batch = jax.random.randint(ks[0], (B, 1), 0, PIECE_HEX_DIM)
    dense_batch = jax.random.normal(ks[1], (B, DENSE_DIM), dtype=jnp.float32)
    total_input = FT_DIM * 2 + DENSE_DIM
    W_ft = jax.random.normal(ks[2], (PIECE_HEX_DIM, FT_DIM), dtype=jnp.float32) * 0.02
    b_ft = jnp.zeros((FT_DIM,), dtype=jnp.float32)
    W1 = jax.random.normal(ks[3], (HIDDEN_DIM, total_input), dtype=jnp.float32) * 0.05
    b1 = jnp.zeros((HIDDEN_DIM,), dtype=jnp.float32)
    W2 = jax.random.normal(ks[4], (HIDDEN_DIM // 2, HIDDEN_DIM), dtype=jnp.float32) * 0.05
    b2 = jnp.zeros((HIDDEN_DIM // 2,), dtype=jnp.float32)
    W3 = jax.random.normal(ks[5], (1, HIDDEN_DIM // 2), dtype=jnp.float32) * 0.05
    b3 = jnp.zeros((1,), dtype=jnp.float32)
    return {"sparse_batch": sparse_batch, "dense_batch": dense_batch, "W_ft": W_ft, "b_ft": b_ft, "W1": W1, "b1": b1, "W2": W2, "b2": b2, "W3": W3, "b3": b3}

def reference(sparse_batch, dense_batch, W_ft, b_ft, W1, b1, W2, b2, W3, b3):
    # Faithful translation of NNUE.forward with stm_players=None (all 0).
    # With one sparse feature per sample, the padded [B,3] stm/nstm index
    # tensors built by the python loop reduce to: slot0 holds f if owned by
    # that side, else 0 (padding with index 0, exactly as the torch code).
    f = sparse_batch[:, 0]
    is_p1 = f < P1_FEATURE_CUTOFF  # stm_player==0 -> p1 features are stm
    stm0 = jnp.where(is_p1, f, 0)
    nstm0 = jnp.where(is_p1, 0, f)
    z = jnp.zeros_like(stm0)
    stm_idx = jnp.stack([stm0, z, z], axis=1)   # [B, 3]
    nstm_idx = jnp.stack([nstm0, z, z], axis=1)  # [B, 3]
    # ft_weight_gather = ft.weight.T -> [PIECE_HEX_DIM, FT_DIM]; gather + sum
    acc_stm = jnp.take(W_ft, stm_idx, axis=0).sum(axis=1) + b_ft
    acc_nstm = jnp.take(W_ft, nstm_idx, axis=0).sum(axis=1) + b_ft
    x = jnp.concatenate([jax.nn.relu(acc_stm), jax.nn.relu(acc_nstm), dense_batch], axis=-1)
    x = jax.nn.relu(x @ W1.T + b1)
    x = jax.nn.relu(x @ W2.T + b2)
    x = jnp.tanh(x @ W3.T + b3)
    return x.squeeze(-1)

if __name__ == "__main__":
    import jax
    _d = setup_inputs()
    print(jax.jit(kernel)(*tuple(_d.values())))

</pallas_src>

<mosaic_0001>
#map = affine_map<(d0, d1) -> (0, 0)>
#map1 = affine_map<(d0, d1) -> (0)>
module attributes {stable_mosaic.version = 14 : i64} {
  func.func @sc_gather(%arg0: i32, %arg1: i32, %arg2: memref<49152x128xf32, #tpu.memory_space<hbm>>, %arg3: memref<16384xi32, #tpu.memory_space<hbm>>, %arg4: memref<16384x128xf32, #tpu.memory_space<hbm>>, %arg5: memref<512xi32, #tpu.memory_space<vmem>>, %arg6: memref<256x128xf32, #tpu.memory_space<vmem>>, %arg7: memref<256x128xf32, #tpu.memory_space<vmem>>, %arg8: memref<!tpu.dma_semaphore, #tpu.memory_space<semaphore_mem>>, %arg9: memref<!tpu.dma_semaphore, #tpu.memory_space<semaphore_mem>>, %arg10: memref<!tpu.dma_semaphore, #tpu.memory_space<semaphore_mem>>) attributes {dimension_semantics = [#tpu.dimension_semantics<core_parallel>, #tpu.dimension_semantics<subcore_parallel>], iteration_bounds = array<i64: 2, 16>, scalar_prefetch = 0 : i64, scratch_operands = 6 : i64, tpu.core_type = #tpu.core_type<sc_vector_subcore>, window_params = [{transform_indices = #map}, {transform_indices = #map1}, {transform_indices = #map}]} {
    %mul3A = arith.constant 2 : i32
    %mul3A_0 = arith.muli %arg1, %mul3A : i32
    %add3A = arith.addi %mul3A_0, %arg0 : i32
    %mul3A_1 = arith.constant 512 : i32
    %mul3A_2 = arith.muli %add3A, %mul3A_1 : i32
    "tpu.region"() ({
      %run_scoped3A = tpu.sem_alloc : memref<!tpu.dma_semaphore, #tpu.memory_space<semaphore_mem>>
      %dma_start3A_39 = tpu.memref_slice %arg3[%mul3A_2] : memref<16384xi32, #tpu.memory_space<hbm>> -> memref<512xi32, #tpu.memory_space<hbm>>
      %dma_start3A_40 = tpu.memref_slice %arg3[%mul3A_2] : memref<16384xi32, #tpu.memory_space<hbm>> -> memref<512xi32, #tpu.memory_space<hbm>>
      tpu.enqueue_dma source(%dma_start3A_40 : memref<512xi32, #tpu.memory_space<hbm>>) target(%arg5 : memref<512xi32, #tpu.memory_space<vmem>>) target_semaphore(%run_scoped3A : memref<!tpu.dma_semaphore, #tpu.memory_space<semaphore_mem>>)
      %dma_wait3A_41 = tpu.memref_slice %arg3[%mul3A_2] : memref<16384xi32, #tpu.memory_space<hbm>> -> memref<512xi32, #tpu.memory_space<hbm>>
      %dma_wait3A_42 = tpu.memref_slice %arg3[%mul3A_2] : memref<16384xi32, #tpu.memory_space<hbm>> -> memref<512xi32, #tpu.memory_space<hbm>>
      tpu.wait_dma2 semaphore(%run_scoped3A : memref<!tpu.dma_semaphore, #tpu.memory_space<semaphore_mem>>) src(%dma_wait3A_42 : memref<512xi32, #tpu.memory_space<hbm>>) dst(%arg5 : memref<512xi32, #tpu.memory_space<vmem>>)
      tpu.yield
    }) : () -> ()
    %dma_start3A = arith.constant 0 : i32
    %dma_start3A_3 = tpu.memref_slice %arg5[%dma_start3A] : memref<512xi32, #tpu.memory_space<vmem>> -> memref<256xi32, #tpu.memory_space<vmem>>
    %dma_start3A_4 = arith.constant 0 : i32
    %dma_start3A_5 = arith.constant 0 : i32
    %dma_start3A_6 = tpu.memref_slice %arg2[%dma_start3A_4, %dma_start3A_5] : memref<49152x128xf32, #tpu.memory_space<hbm>> -> memref<49152x128xf32, #tpu.memory_space<hbm>>
    tpu.enqueue_indirect_dma source(%dma_start3A_6 : memref<49152x128xf32, #tpu.memory_space<hbm>>) target(%arg6 : memref<256x128xf32, #tpu.memory_space<vmem>>) offsets(%dma_start3A_3 : memref<256xi32, #tpu.memory_space<vmem>>) semaphore(%arg8 : memref<!tpu.dma_semaphore, #tpu.memory_space<semaphore_mem>>)
    %dma_start3A_7 = arith.constant 256 : i32
    %dma_start3A_8 = tpu.memref_slice %arg5[%dma_start3A_7] : memref<512xi32, #tpu.memory_space<vmem>> -> memref<256xi32, #tpu.memory_space<vmem>>
    %dma_start3A_9 = arith.constant 0 : i32
    %dma_start3A_10 = arith.constant 0 : i32
    %dma_start3A_11 = tpu.memref_slice %arg2[%dma_start3A_9, %dma_start3A_10] : memref<49152x128xf32, #tpu.memory_space<hbm>> -> memref<49152x128xf32, #tpu.memory_space<hbm>>
    tpu.enqueue_indirect_dma source(%dma_start3A_11 : memref<49152x128xf32, #tpu.memory_space<hbm>>) target(%arg7 : memref<256x128xf32, #tpu.memory_space<vmem>>) offsets(%dma_start3A_8 : memref<256xi32, #tpu.memory_space<vmem>>) semaphore(%arg9 : memref<!tpu.dma_semaphore, #tpu.memory_space<semaphore_mem>>)
    %dma_wait3A = arith.constant 0 : i32
    %dma_wait3A_12 = tpu.memref_slice %arg5[%dma_wait3A] : memref<512xi32, #tpu.memory_space<vmem>> -> memref<256xi32, #tpu.memory_space<vmem>>
    %dma_wait3A_13 = arith.constant 0 : i32
    %dma_wait3A_14 = arith.constant 0 : i32
    %dma_wait3A_15 = tpu.memref_slice %arg2[%dma_wait3A_13, %dma_wait3A_14] : memref<49152x128xf32, #tpu.memory_space<hbm>> -> memref<49152x128xf32, #tpu.memory_space<hbm>>
    tpu.wait_indirect_dma semaphore(%arg8 : memref<!tpu.dma_semaphore, #tpu.memory_space<semaphore_mem>>) src(%dma_wait3A_15 : memref<49152x128xf32, #tpu.memory_space<hbm>>) dst(%arg6 : memref<256x128xf32, #tpu.memory_space<vmem>>)
    %dma_start3A_16 = arith.constant 0 : i32
    %dma_start3A_17 = tpu.memref_slice %arg4[%mul3A_2, %dma_start3A_16] : memref<16384x128xf32, #tpu.memory_space<hbm>> -> memref<256x128xf32, #tpu.memory_space<hbm>>
    %dma_start3A_18 = arith.constant 0 : i32
    %dma_start3A_19 = tpu.memref_slice %arg4[%mul3A_2, %dma_start3A_18] : memref<16384x128xf32, #tpu.memory_space<hbm>> -> memref<256x128xf32, #tpu.memory_space<hbm>>
    tpu.enqueue_dma source(%arg6 : memref<256x128xf32, #tpu.memory_space<vmem>>) target(%dma_start3A_19 : memref<256x128xf32, #tpu.memory_space<hbm>>) target_semaphore(%arg10 : memref<!tpu.dma_semaphore, #tpu.memory_space<semaphore_mem>>)
    %dma_wait3A_20 = arith.constant 256 : i32
    %dma_wait3A_21 = tpu.memref_slice %arg5[%dma_wait3A_20] : memref<512xi32, #tpu.memory_space<vmem>> -> memref<256xi32, #tpu.memory_space<vmem>>
    %dma_wait3A_22 = arith.constant 0 : i32
    %dma_wait3A_23 = arith.constant 0 : i32
    %dma_wait3A_24 = tpu.memref_slice %arg2[%dma_wait3A_22, %dma_wait3A_23] : memref<49152x128xf32, #tpu.memory_space<hbm>> -> memref<49152x128xf32, #tpu.memory_space<hbm>>
    tpu.wait_indirect_dma semaphore(%arg9 : memref<!tpu.dma_semaphore, #tpu.memory_space<semaphore_mem>>) src(%dma_wait3A_24 : memref<49152x128xf32, #tpu.memory_space<hbm>>) dst(%arg7 : memref<256x128xf32, #tpu.memory_space<vmem>>)
    %add3A_25 = arith.constant 256 : i32
    %add3A_26 = arith.addi %mul3A_2, %add3A_25 : i32
    %dma_start3A_27 = arith.constant 0 : i32
    %dma_start3A_28 = tpu.memref_slice %arg4[%add3A_26, %dma_start3A_27] : memref<16384x128xf32, #tpu.memory_space<hbm>> -> memref<256x128xf32, #tpu.memory_space<hbm>>
    %dma_start3A_29 = arith.constant 0 : i32
    %dma_start3A_30 = tpu.memref_slice %arg4[%add3A_26, %dma_start3A_29] : memref<16384x128xf32, #tpu.memory_space<hbm>> -> memref<256x128xf32, #tpu.memory_space<hbm>>
    tpu.enqueue_dma source(%arg7 : memref<256x128xf32, #tpu.memory_space<vmem>>) target(%dma_start3A_30 : memref<256x128xf32, #tpu.memory_space<hbm>>) target_semaphore(%arg10 : memref<!tpu.dma_semaphore, #tpu.memory_space<semaphore_mem>>)
    %dma_wait3A_31 = arith.constant 0 : i32
    %dma_wait3A_32 = tpu.memref_slice %arg4[%mul3A_2, %dma_wait3A_31] : memref<16384x128xf32, #tpu.memory_space<hbm>> -> memref<256x128xf32, #tpu.memory_space<hbm>>
    %dma_wait3A_33 = arith.constant 0 : i32
    %dma_wait3A_34 = tpu.memref_slice %arg4[%mul3A_2, %dma_wait3A_33] : memref<16384x128xf32, #tpu.memory_space<hbm>> -> memref<256x128xf32, #tpu.memory_space<hbm>>
    tpu.wait_dma2 semaphore(%arg10 : memref<!tpu.dma_semaphore, #tpu.memory_space<semaphore_mem>>) src(%arg6 : memref<256x128xf32, #tpu.memory_space<vmem>>) dst(%dma_wait3A_34 : memref<256x128xf32, #tpu.memory_space<hbm>>)
    %dma_wait3A_35 = arith.constant 0 : i32
    %dma_wait3A_36 = tpu.memref_slice %arg4[%add3A_26, %dma_wait3A_35] : memref<16384x128xf32, #tpu.memory_space<hbm>> -> memref<256x128xf32, #tpu.memory_space<hbm>>
    %dma_wait3A_37 = arith.constant 0 : i32
    %dma_wait3A_38 = tpu.memref_slice %arg4[%add3A_26, %dma_wait3A_37] : memref<16384x128xf32, #tpu.memory_space<hbm>> -> memref<256x128xf32, #tpu.memory_space<hbm>>
    tpu.wait_dma2 semaphore(%arg10 : memref<!tpu.dma_semaphore, #tpu.memory_space<semaphore_mem>>) src(%arg7 : memref<256x128xf32, #tpu.memory_space<vmem>>) dst(%dma_wait3A_38 : memref<256x128xf32, #tpu.memory_space<hbm>>)
    return
  }
}

module attributes {stable_mosaic.version = 14 : i64} {
  func.func @_mlp_body(%arg0: i32, %arg1: memref<4096x128xf32, #tpu.memory_space<vmem>>, %arg2: memref<4096x1xi8, #tpu.memory_space<vmem>>, %arg3: memref<4096x32xbf16, #tpu.memory_space<vmem>>, %arg4: memref<1x128xf32, #tpu.memory_space<vmem>>, %arg5: memref<1x128xf32, #tpu.memory_space<vmem>>, %arg6: memref<512x288xbf16, #tpu.memory_space<vmem>>, %arg7: memref<1x512xf32, #tpu.memory_space<vmem>>, %arg8: memref<256x512xbf16, #tpu.memory_space<vmem>>, %arg9: memref<1x256xf32, #tpu.memory_space<vmem>>, %arg10: memref<1x256xbf16, #tpu.memory_space<vmem>>, %arg11: memref<1x1xf32, #tpu.memory_space<vmem>>, %arg12: memref<1x4096xf32, #tpu.memory_space<vmem>>) attributes {dimension_semantics = [#tpu.dimension_semantics<arbitrary>], iteration_bounds = array<i64: 4>, scalar_prefetch = 0 : i64, scratch_operands = 0 : i64, tpu.core_type = #tpu.core_type<tc>, window_params = [{transform_indices = @transform_0, window_bounds = array<i64: 4096, 128>}, {transform_indices = @transform_1, window_bounds = array<i64: 4096, 1>}, {transform_indices = @transform_2, window_bounds = array<i64: 4096, 32>}, {pipeline_mode = #tpu.pipeline_mode<synchronous>, transform_indices = @transform_3, window_bounds = array<i64: 1, 128>}, {pipeline_mode = #tpu.pipeline_mode<synchronous>, transform_indices = @transform_4, window_bounds = array<i64: 1, 128>}, {pipeline_mode = #tpu.pipeline_mode<synchronous>, transform_indices = @transform_5, window_bounds = array<i64: 512, 288>}, {pipeline_mode = #tpu.pipeline_mode<synchronous>, transform_indices = @transform_6, window_bounds = array<i64: 1, 512>}, {pipeline_mode = #tpu.pipeline_mode<synchronous>, transform_indices = @transform_7, window_bounds = array<i64: 256, 512>}, {pipeline_mode = #tpu.pipeline_mode<synchronous>, transform_indices = @transform_8, window_bounds = array<i64: 1, 256>}, {pipeline_mode = #tpu.pipeline_mode<synchronous>, transform_indices = @transform_9, window_bounds = array<i64: 1, 256>}, {pipeline_mode = #tpu.pipeline_mode<synchronous>, transform_indices = @transform_10, window_bounds = array<i64: 1, 1>}, {transform_indices = @transform_11, window_bounds = array<i64: 1, 4096>}]} {
    %get3A = arith.constant 0 : index
    %get3A_0 = arith.constant 0 : index
    %get3A_1 = vector.load %arg4[%get3A, %get3A_0] : memref<1x128xf32, #tpu.memory_space<vmem>>, vector<1x128xf32>
    %mul3A = arith.constant 2.000000e+00 : f32
    %mul3A_2 = vector.broadcast %mul3A : f32 to vector<1x128xf32>
    %mul3A_3 = arith.mulf %mul3A_2, %get3A_1 : vector<1x128xf32>
    %get3A_4 = arith.constant 0 : index
    %get3A_5 = arith.constant 0 : index
    %get3A_6 = vector.load %arg5[%get3A_4, %get3A_5] : memref<1x128xf32, #tpu.memory_space<vmem>>, vector<1x128xf32>
    %add3A = arith.addf %mul3A_3, %get3A_6 : vector<1x128xf32>
    %add3A_7 = arith.addf %get3A_1, %add3A : vector<1x128xf32>
    %max3A = arith.constant 0.000000e+00 : f32
    %max3A_8 = vector.broadcast %max3A : f32 to vector<1x128xf32>
    %max3A_9 = arith.maximumf %add3A_7, %max3A_8 : vector<1x128xf32>
    %convert_element_type3A = arith.truncf %max3A_9 : vector<1x128xf32> to vector<1x128xbf16>
    %get3A_10 = arith.constant 0 : index
    %get3A_11 = arith.constant 0 : index
    %get3A_12 = vector.load %arg1[%get3A_10, %get3A_11] : memref<4096x128xf32, #tpu.memory_space<vmem>>, vector<4096x128xf32>
    %add3A_13 = vector.broadcast %add3A : vector<1x128xf32> to vector<4096x128xf32>
    %add3A_14 = arith.addf %get3A_12, %add3A_13 : vector<4096x128xf32>
    %max3A_15 = arith.constant 0.000000e+00 : f32
    %max3A_16 = vector.broadcast %max3A_15 : f32 to vector<4096x128xf32>
    %max3A_17 = arith.maximumf %add3A_14, %max3A_16 : vector<4096x128xf32>
    %convert_element_type3A_18 = arith.truncf %max3A_17 : vector<4096x128xf32> to vector<4096x128xbf16>
    %get3A_19 = arith.constant 0 : index
    %get3A_20 = arith.constant 0 : index
    %get3A_21 = vector.load %arg2[%get3A_19, %get3A_20] : memref<4096x1xi8, #tpu.memory_space<vmem>>, vector<4096x1xi8>
    %ne3A = arith.constant 0 : i8
    %ne3A_22 = vector.broadcast %ne3A : i8 to vector<4096x1xi8>
    %ne3A_23 = arith.cmpi ne, %get3A_21, %ne3A_22 : vector<4096x1xi8>
    %broadcast_in_dim3A = vector.shape_cast %ne3A_23 : vector<4096x1xi1> to vector<4096x1xi1>
    %broadcast_in_dim3A_24 = vector.broadcast %broadcast_in_dim3A : vector<4096x1xi1> to vector<4096x128xi1>
    %broadcast_in_dim3A_25 = vector.shape_cast %convert_element_type3A : vector<1x128xbf16> to vector<1x128xbf16>
    %broadcast_in_dim3A_26 = vector.broadcast %broadcast_in_dim3A_25 : vector<1x128xbf16> to vector<4096x128xbf16>
    %select_n3A = arith.select %broadcast_in_dim3A_24, %convert_element_type3A_18, %broadcast_in_dim3A_26 : vector<4096x128xi1>, vector<4096x128xbf16>
    %broadcast_in_dim3A_27 = vector.shape_cast %ne3A_23 : vector<4096x1xi1> to vector<4096x1xi1>
    %broadcast_in_dim3A_28 = vector.broadcast %broadcast_in_dim3A_27 : vector<4096x1xi1> to vector<4096x128xi1>
    %broadcast_in_dim3A_29 = vector.shape_cast %convert_element_type3A : vector<1x128xbf16> to vector<1x128xbf16>
    %broadcast_in_dim3A_30 = vector.broadcast %broadcast_in_dim3A_29 : vector<1x128xbf16> to vector<4096x128xbf16>
    %select_n3A_31 = arith.select %broadcast_in_dim3A_28, %broadcast_in_dim3A_30, %convert_element_type3A_18 : vector<4096x128xi1>, vector<4096x128xbf16>
    %get3A_32 = arith.constant 0 : index
    %get3A_33 = arith.constant 0 : index
    %get3A_34 = vector.load %arg3[%get3A_32, %get3A_33] : memref<4096x32xbf16, #tpu.memory_space<vmem>>, vector<4096x32xbf16>
    %concatenate3A = tpu.concatenate %select_n3A, %select_n3A_31, %get3A_34 in 1 : vector<4096x128xbf16>, vector<4096x128xbf16>, vector<4096x32xbf16> -> vector<4096x288xbf16>
    %get3A_35 = arith.constant 0 : index
    %get3A_36 = arith.constant 0 : index
    %get3A_37 = vector.load %arg6[%get3A_35, %get3A_36] : memref<512x288xbf16, #tpu.memory_space<vmem>>, vector<512x288xbf16>
    %dot_general3A = arith.constant dense<0.000000e+00> : vector<4096x512xf32>
    %dot_general3A_38 = tpu.matmul %concatenate3A, %get3A_37, %dot_general3A {dimension_numbers = #tpu.dot_dimension_numbers<[1], [1], [0], [0], [0, 0, 1, 0], [], []>, transpose_lhs_hint = false} : vector<4096x288xbf16>, vector<512x288xbf16>, vector<4096x512xf32> -> vector<4096x512xf32>
    %get3A_39 = arith.constant 0 : index
    %get3A_40 = arith.constant 0 : index
    %get3A_41 = vector.load %arg7[%get3A_39, %get3A_40] : memref<1x512xf32, #tpu.memory_space<vmem>>, vector<1x512xf32>
    %add3A_42 = vector.broadcast %get3A_41 : vector<1x512xf32> to vector<4096x512xf32>
    %add3A_43 = arith.addf %dot_general3A_38, %add3A_42 : vector<4096x512xf32>
    %max3A_44 = arith.constant 0.000000e+00 : f32
    %max3A_45 = vector.broadcast %max3A_44 : f32 to vector<4096x512xf32>
    %max3A_46 = arith.maximumf %add3A_43, %max3A_45 : vector<4096x512xf32>
    %convert_element_type3A_47 = arith.truncf %max3A_46 : vector<4096x512xf32> to vector<4096x512xbf16>
    %get3A_48 = arith.constant 0 : index
    %get3A_49 = arith.constant 0 : index
    %get3A_50 = vector.load %arg8[%get3A_48, %get3A_49] : memref<256x512xbf16, #tpu.memory_space<vmem>>, vector<256x512xbf16>
    %dot_general3A_51 = arith.constant dense<0.000000e+00> : vector<4096x256xf32>
    %dot_general3A_52 = tpu.matmul %convert_element_type3A_47, %get3A_50, %dot_general3A_51 {dimension_numbers = #tpu.dot_dimension_numbers<[1], [1], [0], [0], [0, 0, 1, 0], [], []>, transpose_lhs_hint = false} : vector<4096x512xbf16>, vector<256x512xbf16>, vector<4096x256xf32> -> vector<4096x256xf32>
    %get3A_53 = arith.constant 0 : index
    %get3A_54 = arith.constant 0 : index
    %get3A_55 = vector.load %arg9[%get3A_53, %get3A_54] : memref<1x256xf32, #tpu.memory_space<vmem>>, vector<1x256xf32>
    %add3A_56 = vector.broadcast %get3A_55 : vector<1x256xf32> to vector<4096x256xf32>
    %add3A_57 = arith.addf %dot_general3A_52, %add3A_56 : vector<4096x256xf32>
    %max3A_58 = arith.constant 0.000000e+00 : f32
    %max3A_59 = vector.broadcast %max3A_58 : f32 to vector<4096x256xf32>
    %max3A_60 = arith.maximumf %add3A_57, %max3A_59 : vector<4096x256xf32>
    %get3A_61 = arith.constant 0 : index
    %get3A_62 = arith.constant 0 : index
    %get3A_63 = vector.load %arg10[%get3A_61, %get3A_62] : memref<1x256xbf16, #tpu.memory_space<vmem>>, vector<1x256xbf16>
    %convert_element_type3A_64 = arith.truncf %max3A_60 : vector<4096x256xf32> to vector<4096x256xbf16>
    %dot_general3A_65 = arith.constant dense<0.000000e+00> : vector<1x4096xf32>
    %dot_general3A_66 = tpu.matmul %get3A_63, %convert_element_type3A_64, %dot_general3A_65 {dimension_numbers = #tpu.dot_dimension_numbers<[1], [1], [0], [0], [0, 0, 1, 0], [], []>, transpose_lhs_hint = false} : vector<1x256xbf16>, vector<4096x256xbf16>, vector<1x4096xf32> -> vector<1x4096xf32>
    %get3A_67 = arith.constant 0 : index
    %get3A_68 = arith.constant 0 : index
    %get3A_69 = vector.load %arg11[%get3A_67, %get3A_68] : memref<1x1xf32, #tpu.memory_space<vmem>>, vector<1x1xf32>
    %add3A_70 = vector.broadcast %get3A_69 : vector<1x1xf32> to vector<1x4096xf32>
    %add3A_71 = arith.addf %dot_general3A_66, %add3A_70 : vector<1x4096xf32>
    %tanh3A = math.tanh %add3A_71 : vector<1x4096xf32>
    %swap3A = arith.constant 0 : index
    %swap3A_72 = arith.constant 0 : index
    %swap3A_73 = vector.load %arg12[%swap3A, %swap3A_72] : memref<1x4096xf32, #tpu.memory_space<vmem>>, vector<1x4096xf32>
    tpu.vector_store %arg12[%swap3A, %swap3A_72], %tanh3A {strides = array<i32>} : memref<1x4096xf32, #tpu.memory_space<vmem>>, vector<1x4096xf32>,
    return
  }
  func.func @transform_0(%arg0: i32) -> (i32, i32) {
    %c0_i32 = arith.constant 0 : i32
    %c0_i32_0 = arith.constant 0 : i32
    return %arg0, %c0_i32 : i32, i32
  }
  func.func @transform_1(%arg0: i32) -> (i32, i32) {
    %c0_i32 = arith.constant 0 : i32
    %c0_i32_0 = arith.constant 0 : i32
    return %arg0, %c0_i32 : i32, i32
  }
  func.func @transform_2(%arg0: i32) -> (i32, i32) {
    %c0_i32 = arith.constant 0 : i32
    %c0_i32_0 = arith.constant 0 : i32
    return %arg0, %c0_i32 : i32, i32
  }
  func.func @transform_3(%arg0: i32) -> (i32, i32) {
    %c0_i32 = arith.constant 0 : i32
    %c0_i32_0 = arith.constant 0 : i32
    %c0_i32_1 = arith.constant 0 : i32
    return %c0_i32, %c0_i32_0 : i32, i32
  }
  func.func @transform_4(%arg0: i32) -> (i32, i32) {
    %c0_i32 = arith.constant 0 : i32
    %c0_i32_0 = arith.constant 0 : i32
    %c0_i32_1 = arith.constant 0 : i32
    return %c0_i32, %c0_i32_0 : i32, i32
  }
  func.func @transform_5(%arg0: i32) -> (i32, i32) {
    %c0_i32 = arith.constant 0 : i32
    %c0_i32_0 = arith.constant 0 : i32
    %c0_i32_1 = arith.constant 0 : i32
    return %c0_i32, %c0_i32_0 : i32, i32
  }
  func.func @transform_6(%arg0: i32) -> (i32, i32) {
    %c0_i32 = arith.constant 0 : i32
    %c0_i32_0 = arith.constant 0 : i32
    %c0_i32_1 = arith.constant 0 : i32
    return %c0_i32, %c0_i32_0 : i32, i32
  }
  func.func @transform_7(%arg0: i32) -> (i32, i32) {
    %c0_i32 = arith.constant 0 : i32
    %c0_i32_0 = arith.constant 0 : i32
    %c0_i32_1 = arith.constant 0 : i32
    return %c0_i32, %c0_i32_0 : i32, i32
  }
  func.func @transform_8(%arg0: i32) -> (i32, i32) {
    %c0_i32 = arith.constant 0 : i32
    %c0_i32_0 = arith.constant 0 : i32
    %c0_i32_1 = arith.constant 0 : i32
    return %c0_i32, %c0_i32_0 : i32, i32
  }
  func.func @transform_9(%arg0: i32) -> (i32, i32) {
    %c0_i32 = arith.constant 0 : i32
    %c0_i32_0 = arith.constant 0 : i32
    %c0_i32_1 = arith.constant 0 : i32
    return %c0_i32, %c0_i32_0 : i32, i32
  }
  func.func @transform_10(%arg0: i32) -> (i32, i32) {
    %c0_i32 = arith.constant 0 : i32
    %c0_i32_0 = arith.constant 0 : i32
    %c0_i32_1 = arith.constant 0 : i32
    return %c0_i32, %c0_i32_0 : i32, i32
  }
  func.func @transform_11(%arg0: i32) -> (i32, i32) {
    %c0_i32 = arith.constant 0 : i32
    %c0_i32_0 = arith.constant 0 : i32
    return %c0_i32, %arg0 : i32, i32
  }
}

</mosaic_0001>

<sc_bundles>
// kernel: kernel.4.cloned.1.call-start
scs
__scs_entry_jumppad:
0x0: {  	(pc) =	sbr.rel $0x88, $3  }
0x1: {  	(tag) =	ssettag $0x0;
	lr =	simm.s32 $0x1  }
0x2: {  	[smem:$0x3F97] =	sst lr;
	_ =	strace $0xD0000000  }
0x3: {  	_ = 	snop  }
0x4: {  	_ = 	snop  }
0x5: {  	_ = 	snop  }
0x6: {  	_ = 	snop  }
0x7: {  	_ = 	snop  }
__scs_overlays_trampoline_lowered:
0x8: {  	[smem:$0x3FA6] =	sst s0  }
0x9: {  	[smem:$0x3FA7] =	sst s1  }
0xa: {  	[smem:$0x3FA8] =	sst s2  }
0xb: {  	[smem:$0x3FA9] =	sst s3  }
0xc: {  	[smem:$0x3FAA] =	sst s4  }
0xd: {  	[smem:$0x3FAB] =	sst s5  }
0xe: {  	[smem:$0x3FAC] =	sst s6  }
0xf: {  	[smem:$0x3FAD] =	sst s7  }
0x10: {  	[smem:$0x3FAE] =	sst s8  }
0x11: {  	[smem:$0x3FAF] =	sst s9;
	s0 =	simm.s32 @!p0 $0x0  }
0x12: {  	s1 =	sld [smem:$0x3F95];
	s0 =	simm.s32 @p0 $0x1  }
0x13: {  	[smem:$0x3FB0] =	sst s0;
	s0 =	simm.s32 @!p1 $0x0  }
0x14: {  	s2 =	sld [smem:$0x3F94];
	s0 =	simm.s32 @p1 $0x1  }
0x15: {  	[smem:$0x3FB1] =	sst s0;
	s0 =	simm.s32 @!p2 $0x0  }
0x16: {  	s3 =	sld [smem:$0x3FDB];
	s0 =	simm.s32 @p2 $0x1  }
0x17: {  	s4 =	simm.s32 $0x1BF5;
	[smem:$0x3FB3] =	sst s0  }
0x18: {  	s0 =	sld [smem:$0x3F96];
	_ =	swait.ge [sflag:s4], $0x0  }
0x19: {  	s7 =	sld [smem:$0x3F97]  }
0x1a: {  	s8 =	sadd.s32 $0xFFFFE003, lr  }
0x1b: {  	s9 =	sadd.s32 $0xFFFFFEF7, lr;
	s5 =	simm.s32 $0xFFFFFFFF;
	p2 =	slt.u32 s8, $0xFFFFF086  }
0x1c: {  	p1 =	slt.u32 s9, $0xF7A;
	s5 =	simm.s32 @!p2 $0x0  }
0x1d: {  	s5 =	simm.s32 @p1 $0x1;
	p0 =	seq.s32 s7, s2  }
0x1e: {  	s7 =	smul.u32 @!p0 $0xF7A, s2;
	p2 =	seq.s32 @!p0 s5, $0x0  }
0x1f: {  	s9 =	smul.u32 $0xF7A, s1;
	s8 =	simm.s32 @!p0 $0x1BF5;
	p2 =	por !p2, p0  }
0x20: {  	[sflag:s8] =	ssyncset.s32 @!p0 $0xFFFFF086;
	s6 =	sadd.s32 @!p0 s3, s7;
	s7 =	simm.s32 @!p0 $0x108  }
0x21: {  	s3 =	sadd.s32 s3, s9;
	s6 =	sadd.s32 @!p0 $0x88, s6;
	s7 =	simm.s32 @p2 $0x1082  }
0x22: {  	[simem:s7], [sflag:s8] =	dma.local @!p0 [hbm:s6], $0xF7A  }
0x23: {  	s9 =	sor.u32 $0xD0000000, s2;
	s6 =	simm.s32 $0x108;
	_ =	swait.ge @!p0 [sflag:s8], $0x0  }
0x24: {  	s3 =	sadd.s32 $0x88, s3;
	s6 =	simm.s32 @!p1 $0x1082;
	[sflag:s4] =	ssyncset.s32 $0xFFFFF086  }
0x25: {  	[simem:s6], [sflag:s4] =	dma.local [hbm:s3], $0xF7A  }
0x26: {  	[smem:$0x3F97] =	sst s1;
	(tag) =	ssettag s2;
	_ =	strace s9  }
0x27: {  	s1 =	sld [smem:$0x3FA7]  }
0x28: {  	s2 =	sld [smem:$0x3FA8]  }
0x29: {  	s4 =	sld [smem:$0x3FAA]  }
0x2a: {  	p0 =	seq.s32 s5, $0x0;
	s5 =	sld [smem:$0x3FAB]  }
0x2b: {  	s6 =	sld [smem:$0x3FAC]  }
0x2c: {  	s7 =	sld [smem:$0x3FAD]  }
0x2d: {  	s3 =	simm.s32 $0x108;
	s8 =	sld [smem:$0x3FAE]  }
0x2e: {  	s3 =	simm.s32 @!p0 $0x1082;
	s9 =	sld [smem:$0x3FAF]  }
0x2f: {  	lr =	sadd.s32 s0, s3;
	s0 =	sld [smem:$0x3FA6]  }
0x30: {  	s3 =	sld [smem:$0x3FA9]  }
0x31: {  	[smem:$0x3FB2] =	sst s10  }
0x32: {  	s10 =	sld [smem:$0x3FB0];
	_ =	sdelay $0x3  }
0x33: {  	p0 =	seq.s32 s10, $0x1;
	s10 =	sld [smem:$0x3FB2];
	_ =	sdelay $0x3  }
0x34: {  	[smem:$0x3FB2] =	sst s10  }
0x35: {  	s10 =	sld [smem:$0x3FB1];
	_ =	sdelay $0x3  }
0x36: {  	p1 =	seq.s32 s10, $0x1;
	s10 =	sld [smem:$0x3FB2];
	_ =	sdelay $0x3  }
0x37: {  	[smem:$0x3FB2] =	sst s10  }
0x38: {  	s10 =	sld [smem:$0x3FB3]  }
0x39: {  	_ = 	snop;
	(pc) =	sbr.ind lr, $3  }
0x3a: {  	_ = 	snop  }
0x3b: {  	_ = 	snop  }
0x3c: {  	p2 =	seq.s32 s10, $0x1;
	s10 =	sld [smem:$0x3FB2]  }
0x3d: {  	_ =	shalt  }
0x3e: {  	_ =	shalt  }
0x3f: {  	_ =	shalt  }
0x40: {  	_ =	shalt  }
0x41: {  	_ =	shalt  }
0x42: {  	_ =	shalt  }
0x43: {  	_ =	shalt  }
0x44: {  	_ =	shalt  }
0x45: {  	_ =	shalt  }
0x46: {  	_ =	shalt  }
0x47: {  	_ =	shalt  }
0x48: {  	_ =	shalt  }
0x49: {  	_ =	shalt  }
0x4a: {  	_ =	shalt  }
0x4b: {  	_ =	shalt  }
0x4c: {  	_ =	shalt  }
0x4d: {  	_ =	shalt  }
0x4e: {  	_ =	shalt  }
0x4f: {  	_ =	shalt  }
0x50: {  	_ =	shalt  }
0x51: {  	_ =	shalt  }
0x52: {  	_ =	shalt  }
0x53: {  	_ =	shalt  }
0x54: {  	_ =	shalt  }
0x55: {  	_ =	shalt  }
0x56: {  	_ =	shalt  }
0x57: {  	_ =	shalt  }
0x58: {  	_ =	shalt  }
0x59: {  	_ =	shalt  }
0x5a: {  	_ =	shalt  }
0x5b: {  	_ =	shalt  }
0x5c: {  	_ =	shalt  }
0x5d: {  	_ =	shalt  }
0x5e: {  	_ =	shalt  }
0x5f: {  	_ =	shalt  }
0x60: {  	_ =	shalt  }
0x61: {  	_ =	shalt  }
0x62: {  	_ =	shalt  }
0x63: {  	_ =	shalt  }
0x64: {  	_ =	shalt  }
0x65: {  	_ =	shalt  }
0x66: {  	_ =	shalt  }
0x67: {  	_ =	shalt  }
0x68: {  	_ =	shalt  }
0x69: {  	_ =	shalt  }
0x6a: {  	_ =	shalt  }
0x6b: {  	_ =	shalt  }
0x6c: {  	_ =	shalt  }
0x6d: {  	_ =	shalt  }
0x6e: {  	_ =	shalt  }
0x6f: {  	_ =	shalt  }
0x70: {  	_ =	shalt  }
0x71: {  	_ =	shalt  }
0x72: {  	_ =	shalt  }
0x73: {  	_ =	shalt  }
0x74: {  	_ =	shalt  }
0x75: {  	_ =	shalt  }
0x76: {  	_ =	shalt  }
0x77: {  	_ =	shalt  }
0x78: {  	_ =	shalt  }
0x79: {  	_ =	shalt  }
0x7a: {  	_ =	shalt  }
0x7b: {  	_ =	shalt  }
0x7c: {  	_ =	shalt  }
0x7d: {  	_ =	shalt  }
0x7e: {  	_ =	shalt  }
0x7f: {  	_ =	shalt  }
0x80: {  	_ =	shalt  }
0x81: {  	_ =	shalt  }
0x82: {  	_ =	shalt  }
0x83: {  	_ =	shalt  }
0x84: {  	_ =	shalt  }
0x85: {  	_ =	shalt  }
0x86: {  	_ =	shalt  }
0x87: {  	_ =	shalt  }
.Lfunc_end0:
.L_simem_size_0:
called_computation_lowered:
.L_overlay_start_0:
0x88: {  	s2 =	sld [smem:$0x3FD9]  }
0x89: {  	s3 =	sld [smem:$0x3FFE];
	_ =	sdelay $0x1  }
0x8a: {  	s1 =	srdreg.scid  }
0x8b: {  	s0 =	sand.u32 $0x1, s1  }
0x8c: {  	s17 =	sshll.u32 s0, $0xA;
	s2 =	sadd.s32 s3, s2  }
0x8d: {  	s2 =	sadd.s32 s2, s17  }
0x8e: {  	[smem:$0x3FBE] =	sst s2  }
0x8f: {  	_ = 	snop  }
0x90: {  	s2 =	sld [smem:$0x3FC9]  }
0x91: {  	s18 =	sld [smem:$0x3FC7];
	(tm) =	ssettm $0x1  }
0x92: {  	s4 =	sld [smem:$0x3FFB];
	_ =	sdelay $0x3  }
0x93: {  	_ =	strace s4  }
0x94: {  	s4 =	sld [smem:$0x3FFC];
	_ =	sdelay $0x3  }
0x95: {  	_ =	strace s4  }
0x96: {  	s4 =	sld [smem:$0x3FFD];
	_ =	sdelay $0x3  }
0x97: {  	_ =	strace s4  }
0x98: {  	_ =	strace $0x8FFFFFFF  }
0x99: {  	s19 =	sld [smem:$0x3FDB];
	_ =	sdelay $0x1  }
0x9a: {  	s5 =	simm.s32 $_scs_section_size  }
0x9b: {  	s6 =	simm.s32 $_size__tile_overlayer_lowered;
	s7 =	simm.s32 $_tile_overlayer_lowered  }
0x9c: {  	s22 =	simm.s32 $0x1BFF;
	s21 =	sshll.u32 s7, $0x1;
	s4 =	sadd.s32 s5, s19  }
0x9d: {  	s8 =	simm.s32 $0x0;
	s20 =	sshll.u32 s6, $0x1;
	s6 =	sadd.s32 s21, s4  }
0x9e: {  	[timem:s8], [sflag:s22] =	dma.local [hbm:s6], s20  }
0x9f: {  	_ =	swait.ge [sflag:s22], s20  }
0xa0: {  	s5 =	ssub.s32 $0x0, s20;
	[sflag:s22] =	ssyncset.done $0x0  }
0xa1: {  	[sflag:s22] =	ssyncadd.s32 s5;
	_ =	sdelay $0x1  }
0xa2: {  	s23 =	simm.s32 $0x1B8B  }
0xa3: {  	_ =	swait.ge [sflag:s23], $0x1  }
0xa4: {  	[sflag:s23] =	ssyncset.done $0x0  }
0xa5: {  	s25 =	simm.s32 $0x1B8E;
	s24 =	sld [smem:$0x3FFE];
	[sflag:s23] =	ssyncadd.s32 $0xFFFFFFFF  }
0xa6: {  	s26 =	simm.s32 $execute0_lowered;
	[smem:$0x3FD2] =	sst s25  }
0xa7: {  	s6 =	sshll.u32 s26, $0x1;
	_ =	strace $0x80000046;
	[dreg:$0x1] =	wrdreg $0xFFFFFFFF  }
0xa8: {  	s28 =	simm.s32 $_size_execute0_lowered;
	s4 =	sadd.s32 s4, s6;
	[dreg:$0x0] =	wrdreg $0x0  }
0xa9: {  	s6 =	sshll.u32 s28, $0x1;
	[dreg:$0x2] =	wrdreg s4  }
0xaa: {  	[dreg:$0x3] =	wrdreg s6  }
0xab: {  	[dreg:$0x4] =	wrdreg $0xC0  }
0xac: {  	_ =	task [dreg:s8], $0x5FFFF  }
0xad: {  	[dreg:$0x1] =	wrdreg $0xFFFFFFFF  }
0xae: {  	[dreg:$0x0] =	wrdreg $0x60  }
0xaf: {  	[dreg:$0x2] =	wrdreg s18  }
0xb0: {  	[dreg:$0x3] =	wrdreg s2  }
0xb1: {  	[dreg:$0x4] =	wrdreg s24  }
0xb2: {  	[dreg:$0x5] =	wrdreg $0x9  }
0xb3: {  	_ =	task.clear_ibuf [dreg:s8], $0x6FFFF;
	_ =	strace $0x90000046  }
0xb4: {  	s29 =	simm.s32 $0x9;
	_ =	strace $0x80000048  }
0xb5: {  	_ =	swait.ge [sflag:s29], $0x1  }
0xb6: {  	[sflag:s29] =	ssyncadd.s32 $0xFFFFFFFF  }
0xb7: {  	_ =	strace $0x90000048  }
0xb8: {  	_ =	sfence  }
0xb9: {  	s30 =	sld [smem:$0x0];
	_ =	sdelay $0x2  }
0xba: {  	s31 =	sshll.u32 s1, $0xD;
	s1 =	sshrl.u32 s1, $0x2  }
0xbb: {  	s3 =	sand.u32 $0x4000, s31;
	s1 =	sadd.s32 s1, s30  }
0xbc: {  	s0 =	sor.u32 s3, s0;
	s1 =	sshll.u32 s1, $0x11  }
0xbd: {  	s0 =	sor.u32 s1, s0  }
0xbe: {  	s0 =	sadd.s32 $0x8F2B, s0  }
0xbf: {  	[sflag:s0] =	ssyncadd.remote.s32 $0x1  }
0xc0: {  	_ =	sfence.sel $0xFFFF  }
0xc1: {  	[dreg:$0x0] =	wrdreg $0xFFFFFFFF;
	(pc) =	sbr.abs _section_cstart, $3  }
0xc2: {  	[dreg:$0x1] =	wrdreg $0xFFFFFFFF  }
0xc3: {  	_ =	task.clear_ibuf [dreg:s8], $0x2FFFF;
	_ =	strace $0x9FFFFFFF  }
0xc4: {  	(tm) =	ssettm $0x7FFFFFFF  }
0xc5: {  	_ =	shalt  }
tec
execute0_lowered:
.L_overlay_start_1:
0x0: {  	(tag) =	ssettag $0x1  }
0x1: {  	s1 =	rddreg [dreg:$0x0];
	s2 =	srdreg.scid  }
0x2: {  	s4 =	rddreg [dreg:$0x1];
	s0 =	stileid.u32;
	s12 =	sand.u32 $0x1, s2  }
0x3: {  	s10 =	rddreg [dreg:$0x2];
	s5 =	sshll.u32 s0, $0xA;
	s6 =	sshll.u32 s12, $0x9  }
0x4: {  	s3 =	simm.s32 $0x0;
	s2 =	rddreg [dreg:$0x3];
	s11 =	sor.u32 s6, s5  }
0x5: {  	[smem:$0x7FF] =	sst s3;
	s5 =	sshrl.u32 s11, $0x3  }
0x6: {  	_ =	strace $0x80000047;
	s4 =	sadd.s32 s4, s5;
	s5 =	simm.s32 $0x4  }
0x7: {  	[tilespmem:s3], [sflag:$0x4] =	stream.linear.gather [hbm4b:s4+s3], $0x200, $0x38;
	[tilespmem:$0x10200] =	vst v63  }
0x8: {  	_ =	swait.ge [sflag:s5], $0x200  }
0x9: {  	[sflag:s5] =	ssyncset.done $0x0  }
0xa: {  	s7 =	simm.s32 $0x200;
	s6 =	simm.s32 $0x100;
	[sflag:s5] =	ssyncadd.s32 $0xFFFFFE00  }
0xb: {  	[tilespmem:s7], [sflag:$0x1] =	stream.indirect.gather [hbm4b:s1+s6], $0x80, s3, s6, $0xb8;
	[tilespmem:$0x10200] =	vst v63  }
0xc: {  	s8 =	simm.s32 $0x8200;
	s9 =	simm.s32 $0x1  }
0xd: {  	[tilespmem:s8], [sflag:$0x2] =	stream.indirect.gather [hbm4b:s1+s6], $0x80, s6, s6, $0xb8;
	[tilespmem:$0x10200] =	vst v63  }
0xe: {  	s14 =	ssub.s32 $0x2, s12;
	s11 =	sshll.u32 s11, $0x4;
	_ =	swait.ge [sflag:s9], $0x8000  }
0xf: {  	s15 =	sshrl.u32 s14, $0x1;
	s13 =	sadd.s32 s11, s10;
	[sflag:s9] =	ssyncset.done $0x0  }
0x10: {  	s11 =	simm.s32 $0x2;
	s10 =	sadd.s32 $0x1600, s13;
	[sflag:s9] =	ssyncadd.s32 $0xFFFF8000  }
0x11: {  	[hbm4b:s10+s3] =	stream.linear.scatter [tilespmem:s7], [sflag:$0x3], $0x8000, $0x38;
	[tilespmem:$0x10200] =	vst v63  }
0x12: {  	s14 =	ssub.s32 s14, s15;
	_ =	swait.ge [sflag:s11], $0x8000  }
0x13: {  	s12 =	simm.s32 $0x3;
	s14 =	smax.u32 s14, $0x1;
	[sflag:s11] =	ssyncset.done $0x0  }
0x14: {  	s13 =	sadd.s32 $0x2600, s13;
	p0 =	sne.s32 s14, $0x1;
	[sflag:s11] =	ssyncadd.s32 $0xFFFF8000  }
0x15: {  	[hbm4b:s13+s3] =	stream.linear.scatter [tilespmem:s8], [sflag:$0x3], $0x8000, $0x38;
	[tilespmem:$0x10200] =	vst v63  }
.Ltmp0:
0x16: {  	_ =	swait.ge [sflag:s12], $0x8000;
	(pc) =	sbr.rel @!p0 .LBB2_2-.Ltmp0, $4  }
0x17: {  	[sflag:s12] =	ssyncset.done $0x0  }
0x18: {  	[sflag:s12] =	ssyncadd.s32 $0xFFFF8000  }
0x19: {  	_ =	swait.ge [sflag:s12], $0x8000  }
0x1a: {  	s14 =	sadd.s32 $0xFFFFFFFF, s14;
	[sflag:s12] =	ssyncset.done $0x0  }
.LBB2_1:
0x1b: {  	p0 =	sne.s32 s14, $0x1;
	s14 =	sadd.s32 $0xFFFFFFFF, s14;
	[sflag:s12] =	ssyncadd.s32 $0xFFFF8000  }
0x1c: {  	[tilespmem:s3], [sflag:$0x4] =	stream.linear.gather [hbm4b:s4+s3], $0x200, $0x38;
	[tilespmem:$0x10200] =	vst v63  }
0x1d: {  	_ =	swait.ge [sflag:s5], $0x200  }
0x1e: {  	[sflag:s5] =	ssyncset.done $0x0  }
0x1f: {  	[sflag:s5] =	ssyncadd.s32 $0xFFFFFE00  }
0x20: {  	[tilespmem:s7], [sflag:$0x1] =	stream.indirect.gather [hbm4b:s1+s6], $0x80, s3, s6, $0xb8;
	[tilespmem:$0x10200] =	vst v63  }
0x21: {  	_ = 	snop  }
0x22: {  	[tilespmem:s8], [sflag:$0x2] =	stream.indirect.gather [hbm4b:s1+s6], $0x80, s6, s6, $0xb8;
	[tilespmem:$0x10200] =	vst v63  }
0x23: {  	_ =	swait.ge [sflag:s9], $0x8000  }
0x24: {  	[sflag:s9] =	ssyncset.done $0x0  }
0x25: {  	[sflag:s9] =	ssyncadd.s32 $0xFFFF8000  }
0x26: {  	[hbm4b:s10+s3] =	stream.linear.scatter [tilespmem:s7], [sflag:$0x3], $0x8000, $0x38;
	[tilespmem:$0x10200] =	vst v63  }
0x27: {  	_ =	swait.ge [sflag:s11], $0x8000  }
0x28: {  	[sflag:s11] =	ssyncset.done $0x0  }
0x29: {  	[sflag:s11] =	ssyncadd.s32 $0xFFFF8000  }
0x2a: {  	[hbm4b:s13+s3] =	stream.linear.scatter [tilespmem:s8], [sflag:$0x3], $0x8000, $0x38;
	[tilespmem:$0x10200] =	vst v63  }
.Ltmp1:
0x2b: {  	_ =	swait.ge [sflag:s12], $0x8000;
	(pc) =	sbr.rel @p0 .LBB2_1-.Ltmp1, $4  }
0x2c: {  	[sflag:s12] =	ssyncset.done $0x0  }
0x2d: {  	[sflag:s12] =	ssyncadd.s32 $0xFFFF8000  }
0x2e: {  	_ =	swait.ge [sflag:s12], $0x8000  }
0x2f: {  	[sflag:s12] =	ssyncset.done $0x0  }
.LBB2_2:
0x30: {  	[sflag:s12] =	ssyncadd.s32 $0xFFFF8000  }
0x31: {  	_ =	sfence.sel $0x180000  }
0x32: {  	[bflag:$0x0] =	sbarrier.arrive $0xFFFF  }
0x33: {  	p0 =	sne.s32 s0, $0x0;
	_ =	strace $0x90000047  }
0x34: {  	s0 =	sadd.s32 @!p0 $0x100000, s2;
	[bflag:$0x2] =	sbarrier.arrive $0xFFFF  }
0x35: {  	[sflag:s0] =	ssyncadd.tile.s32 @!p0 $0x1;
	_ =	shalt  }
.Lfunc_end2:
_tile_overlayer_lowered:
.L_overlay_start_2:
0x36: {  	(tag) =	ssettag $0x2  }
0x37: {  	s0 =	rddreg [dreg:$0x0];
	s2 =	stileid.u32  }
0x38: {  	s1 =	rddreg [dreg:$0x1];
	p0 =	sne.s32 s2, $0x0  }
0x39: {  	s3 =	rddreg [dreg:$0x2];
	[bflag:$0x3] =	sbarrier.arrive $0xFFFF;
	s2 =	simm.s32 @!p0 $0x1C04  }
0x3a: {  	[timem:s3], [sflag:s2] =	dma.local @!p0 [hbm:s0], s1  }
0x3b: {  	s0 =	simm.s32 @!p0 $0x4  }
0x3c: {  	_ =	swait.ge @!p0 [sflag:s0], s1  }
0x3d: {  	s1 =	ssub.s32 @!p0 $0x0, s1;
	[sflag:s0] =	ssyncset.done @!p0 $0x0  }
0x3e: {  	[sflag:s0] =	ssyncadd.s32 @!p0 s1  }
0x3f: {  	[bflag:$0x3] =	sbarrier.arrive $0xFFFF  }
0x40: {  	_ =	shalt  }

</sc_bundles>
